<compile_context>
chip_gen: v7x
topology: tpu7x:2x2x1
jax: 0.10.2.dev20260603
libtpu: 0.0.44.dev20260713+nightly
codegen_flags: <defaults>
</compile_context>

<pallas_src>
import functools

import jax
import jax.numpy as jnp
from jax import lax
from jax.experimental import pallas as pl
from jax.experimental.pallas import tpu as pltpu
from jax.experimental.pallas import tpu_sc as plsc

EMB = 256
NBINS = 8192
NTOK = 8 * 576
COMMIT_COST = 0.25

TM = 512
TN = 8192


def _argmin_body(a2_ref, w_ref, a2n_ref, b2_ref, idx_ref, minv_ref):
    j = pl.program_id(1)
    a2x = a2_ref[...]
    w = w_ref[...]
    s2 = lax.dot_general(a2x, w, (((1,), (1,)), ((), ())),
                         preferred_element_type=jnp.float32)
    d2 = (a2n_ref[...] + b2_ref[...]) - s2
    v = jnp.sqrt(jnp.maximum(d2, 0.0))
    u = jnp.min(v, axis=1, keepdims=True)
    colf = lax.broadcasted_iota(jnp.int32, (TM, TN), 1).astype(jnp.float32)
    targf = jnp.min(jnp.where(v == u, colf, jnp.float32(2.0**30)),
                    axis=1, keepdims=True)
    targ = targf.astype(jnp.int32) + j * TN

    @pl.when(j == 0)
    def _init():
        minv_ref[...] = u
        idx_ref[...] = targ

    @pl.when(j > 0)
    def _update():
        old = minv_ref[...]
        better = u < old
        minv_ref[...] = jnp.where(better, u, old)
        idx_ref[...] = jnp.where(better, targ, idx_ref[...])


def _nearest_codes(flat_x, W, a2, b2):
    grid = (NTOK // TM, NBINS // TN)
    return pl.pallas_call(
        _argmin_body,
        grid=grid,
        in_specs=[
            pl.BlockSpec((TM, EMB), lambda t, j: (t, 0)),
            pl.BlockSpec((TN, EMB), lambda t, j: (j, 0)),
            pl.BlockSpec((TM, 1), lambda t, j: (t, 0)),
            pl.BlockSpec((1, TN), lambda t, j: (0, j)),
        ],
        out_specs=[
            pl.BlockSpec((TM, 1), lambda t, j: (t, 0)),
            pl.BlockSpec((TM, 1), lambda t, j: (t, 0)),
        ],
        out_shape=[
            jax.ShapeDtypeStruct((NTOK, 1), jnp.int32),
            jax.ShapeDtypeStruct((NTOK, 1), jnp.float32),
        ],
    )(flat_x, W, a2, b2)


def _sc_gather(W, idx):
    info = plsc.get_sparse_core_info()
    nw = info.num_cores * info.num_subcores
    bpw = NTOK // nw
    nch = 2
    ch = bpw // nch
    mesh = plsc.VectorSubcoreMesh(core_axis_name="c", subcore_axis_name="s")

    @functools.partial(
        pl.kernel, mesh=mesh,
        out_type=jax.ShapeDtypeStruct((NTOK, EMB), jnp.float32),
        scratch_types=[
            pltpu.VMEM((nch, ch), jnp.int32),
            pltpu.VMEM((bpw, EMB), jnp.float32),
            pltpu.SemaphoreType.DMA,
        ],
    )
    def k(w_hbm, idx_hbm, out_hbm, idx_v, rows_v, sem):
        wid = lax.axis_index("s") * info.num_cores + lax.axis_index("c")
        base = wid * bpw
        for c in range(nch):
            pltpu.sync_copy(idx_hbm.at[pl.ds(base + c * ch, ch)], idx_v.at[c])
        copies = [
            pltpu.async_copy(w_hbm.at[idx_v.at[c]],
                             rows_v.at[pl.ds(c * ch, ch)], sem)
            for c in range(nch)
        ]
        for cp in copies:
            cp.wait()
        pltpu.sync_copy(rows_v, out_hbm.at[pl.ds(base, bpw)])

    return k(W, idx)


def _scalars_body(g_ref, x_ref, minv_ref, loss_ref, fit_ref):
    d = g_ref[...] - x_ref[...]
    ssq = jnp.sum(d * d)
    loss_ref[0, 0] = (1.0 + COMMIT_COST) * ssq / (NTOK * EMB)
    fit_ref[0, 0] = jnp.sum(minv_ref[...]) / NTOK


def _scalars(G, x_raw, minv):
    return pl.pallas_call(
        _scalars_body,
        out_specs=[
            pl.BlockSpec(memory_space=pltpu.SMEM),
            pl.BlockSpec(memory_space=pltpu.SMEM),
        ],
        out_shape=[
            jax.ShapeDtypeStruct((1, 1), jnp.float32),
            jax.ShapeDtypeStruct((1, 1), jnp.float32),
        ],
    )(G, x_raw, minv)


def kernel(x, W):
    N, width, T = x.shape
    flat_x = jnp.transpose(x, (0, 2, 1)).reshape(-1, width)
    a2 = jnp.sum(flat_x * flat_x, axis=1)[:, None]
    b2 = jnp.sum(W * W, axis=1)[None, :]
    idx, minv = _nearest_codes(flat_x + flat_x, W, a2, b2)
    idx = idx.reshape(-1)
    minv = minv.reshape(-1)
    G = _sc_gather(W, idx)
    x_raw = x.reshape(NTOK, EMB)
    loss, fit = _scalars(G, x_raw, minv)
    quantized_out = G.reshape(N, width, T)
    return (quantized_out, loss.reshape(()), fit.reshape(()))

# --- scband reference (transcript-rebuilt; emitter-appended) ---
"""Pipeline reference for scband-vector-quantizer-21139829031574 (READ-ONLY COPY).

The authoritative reference and input builder live on the scoring server;
editing this copy changes nothing except your own understanding.
"""

import jax, jax.numpy as jnp
import numpy as np

EMB_WIDTH = 256
N_BINS = 8192
COMMIT_COST = 0.25


def setup_inputs(seed: int = 0) -> dict:
    key = jax.random.key(seed)
    k1, k2 = jax.random.split(key)
    x = jax.random.normal(k1, (8, EMB_WIDTH, 576), dtype=jnp.float32)
    W = jax.random.uniform(k2, (N_BINS, EMB_WIDTH), dtype=jnp.float32,
                           minval=-1.0 / N_BINS, maxval=1.0 / N_BINS)
    return {"x": x, "W": W}


def _cdist(a, b):
    # euclidean distance like torch.cdist (p=2)
    a2 = jnp.sum(a * a, axis=1, keepdims=True)
    b2 = jnp.sum(b * b, axis=1)[None, :]
    d2 = a2 + b2 - 2.0 * (a @ b.T)
    return jnp.sqrt(jnp.maximum(d2, 0.0))


def reference(x, W):
    N, width, T = x.shape
    xp = jnp.transpose(x, (0, 2, 1))          # (N, T, width)
    flat_x = xp.reshape(-1, width)             # (N*T, width)
    distances = _cdist(flat_x, W)              # (N*T, n_bins)
    min_distance = jnp.min(distances, axis=-1)
    enc_indices = jnp.argmin(distances, axis=-1)
    fit_ = jnp.mean(min_distance)
    quantized = jnp.take(W, enc_indices, axis=0).reshape(N, width, T)
    x_back = jnp.transpose(xp, (0, 2, 1))      # back to (N, width, T)
    commit_loss = jnp.mean((jax.lax.stop_gradient(quantized) - x_back) ** 2)
    codebook_loss = jnp.mean((quantized - jax.lax.stop_gradient(x_back)) ** 2)
    loss = codebook_loss + COMMIT_COST * commit_loss
    quantized_out = x_back + jax.lax.stop_gradient(quantized - x_back)
    return (quantized_out, loss, fit_)

if __name__ == "__main__":
    import jax
    _d = setup_inputs()
    print(jax.jit(kernel)(*tuple(_d.values())))

</pallas_src>

<mosaic_0001>
#map = affine_map<(d0, d1) -> (0, 0)>
#map1 = affine_map<(d0, d1) -> (0)>
module attributes {stable_mosaic.version = 14 : i64} {
  func.func @k(%arg0: i32, %arg1: i32, %arg2: memref<8192x256xf32, #tpu.memory_space<hbm>>, %arg3: memref<4608xi32, #tpu.memory_space<hbm>>, %arg4: memref<4608x256xf32, #tpu.memory_space<hbm>>, %arg5: memref<2x72xi32, #tpu.memory_space<vmem>>, %arg6: memref<144x256xf32, #tpu.memory_space<vmem>>, %arg7: memref<!tpu.dma_semaphore, #tpu.memory_space<semaphore_mem>>) attributes {dimension_semantics = [#tpu.dimension_semantics<core_parallel>, #tpu.dimension_semantics<subcore_parallel>], iteration_bounds = array<i64: 2, 16>, scalar_prefetch = 0 : i64, scratch_operands = 3 : i64, tpu.core_type = #tpu.core_type<sc_vector_subcore>, window_params = [{transform_indices = #map}, {transform_indices = #map1}, {transform_indices = #map}]} {
    %mul3A = arith.constant 2 : i32
    %mul3A_0 = arith.muli %arg1, %mul3A : i32
    %add3A = arith.addi %mul3A_0, %arg0 : i32
    %mul3A_1 = arith.constant 144 : i32
    %mul3A_2 = arith.muli %add3A, %mul3A_1 : i32
    %add3A_3 = arith.constant 0 : i32
    %add3A_4 = arith.addi %mul3A_2, %add3A_3 : i32
    %run_scoped3A = arith.constant 0 : i32
    "tpu.region"() ({
      %run_scoped3A_46 = tpu.sem_alloc : memref<!tpu.dma_semaphore, #tpu.memory_space<semaphore_mem>>
      %dma_start3A_47 = arith.constant 0 : i32
      %dma_start3A_48 = tpu.memref_slice %arg5[%run_scoped3A, %dma_start3A_47] : memref<2x72xi32, #tpu.memory_space<vmem>> -> memref<1x72xi32, #tpu.memory_space<vmem>>
      %dma_start3A_49 = tpu.memref_squeeze %dma_start3A_48 : memref<1x72xi32, #tpu.memory_space<vmem>> -> memref<72xi32, #tpu.memory_space<vmem>>
      %dma_start3A_50 = tpu.memref_slice %arg3[%add3A_4] : memref<4608xi32, #tpu.memory_space<hbm>> -> memref<72xi32, #tpu.memory_space<hbm>>
      %dma_start3A_51 = arith.constant 0 : i32
      %dma_start3A_52 = tpu.memref_slice %arg5[%run_scoped3A, %dma_start3A_51] : memref<2x72xi32, #tpu.memory_space<vmem>> -> memref<1x72xi32, #tpu.memory_space<vmem>>
      %dma_start3A_53 = tpu.memref_squeeze %dma_start3A_52 : memref<1x72xi32, #tpu.memory_space<vmem>> -> memref<72xi32, #tpu.memory_space<vmem>>
      %dma_start3A_54 = tpu.memref_slice %arg3[%add3A_4] : memref<4608xi32, #tpu.memory_space<hbm>> -> memref<72xi32, #tpu.memory_space<hbm>>
      tpu.enqueue_dma source(%dma_start3A_54 : memref<72xi32, #tpu.memory_space<hbm>>) target(%dma_start3A_53 : memref<72xi32, #tpu.memory_space<vmem>>) target_semaphore(%run_scoped3A_46 : memref<!tpu.dma_semaphore, #tpu.memory_space<semaphore_mem>>)
      %dma_wait3A_55 = arith.constant 0 : i32
      %dma_wait3A_56 = tpu.memref_slice %arg5[%run_scoped3A, %dma_wait3A_55] : memref<2x72xi32, #tpu.memory_space<vmem>> -> memref<1x72xi32, #tpu.memory_space<vmem>>
      %dma_wait3A_57 = tpu.memref_squeeze %dma_wait3A_56 : memref<1x72xi32, #tpu.memory_space<vmem>> -> memref<72xi32, #tpu.memory_space<vmem>>
      %dma_wait3A_58 = tpu.memref_slice %arg3[%add3A_4] : memref<4608xi32, #tpu.memory_space<hbm>> -> memref<72xi32, #tpu.memory_space<hbm>>
      %dma_wait3A_59 = arith.constant 0 : i32
      %dma_wait3A_60 = tpu.memref_slice %arg5[%run_scoped3A, %dma_wait3A_59] : memref<2x72xi32, #tpu.memory_space<vmem>> -> memref<1x72xi32, #tpu.memory_space<vmem>>
      %dma_wait3A_61 = tpu.memref_squeeze %dma_wait3A_60 : memref<1x72xi32, #tpu.memory_space<vmem>> -> memref<72xi32, #tpu.memory_space<vmem>>
      %dma_wait3A_62 = tpu.memref_slice %arg3[%add3A_4] : memref<4608xi32, #tpu.memory_space<hbm>> -> memref<72xi32, #tpu.memory_space<hbm>>
      tpu.wait_dma2 semaphore(%run_scoped3A_46 : memref<!tpu.dma_semaphore, #tpu.memory_space<semaphore_mem>>) src(%dma_wait3A_62 : memref<72xi32, #tpu.memory_space<hbm>>) dst(%dma_wait3A_61 : memref<72xi32, #tpu.memory_space<vmem>>)
      tpu.yield
    }) : () -> ()
    %add3A_5 = arith.constant 72 : i32
    %add3A_6 = arith.addi %mul3A_2, %add3A_5 : i32
    %run_scoped3A_7 = arith.constant 1 : i32
    "tpu.region"() ({
      %run_scoped3A_46 = tpu.sem_alloc : memref<!tpu.dma_semaphore, #tpu.memory_space<semaphore_mem>>
      %dma_start3A_47 = arith.constant 0 : i32
      %dma_start3A_48 = tpu.memref_slice %arg5[%run_scoped3A_7, %dma_start3A_47] : memref<2x72xi32, #tpu.memory_space<vmem>> -> memref<1x72xi32, #tpu.memory_space<vmem>>
      %dma_start3A_49 = tpu.memref_squeeze %dma_start3A_48 : memref<1x72xi32, #tpu.memory_space<vmem>> -> memref<72xi32, #tpu.memory_space<vmem>>
      %dma_start3A_50 = tpu.memref_slice %arg3[%add3A_6] : memref<4608xi32, #tpu.memory_space<hbm>> -> memref<72xi32, #tpu.memory_space<hbm>>
      %dma_start3A_51 = arith.constant 0 : i32
      %dma_start3A_52 = tpu.memref_slice %arg5[%run_scoped3A_7, %dma_start3A_51] : memref<2x72xi32, #tpu.memory_space<vmem>> -> memref<1x72xi32, #tpu.memory_space<vmem>>
      %dma_start3A_53 = tpu.memref_squeeze %dma_start3A_52 : memref<1x72xi32, #tpu.memory_space<vmem>> -> memref<72xi32, #tpu.memory_space<vmem>>
      %dma_start3A_54 = tpu.memref_slice %arg3[%add3A_6] : memref<4608xi32, #tpu.memory_space<hbm>> -> memref<72xi32, #tpu.memory_space<hbm>>
      tpu.enqueue_dma source(%dma_start3A_54 : memref<72xi32, #tpu.memory_space<hbm>>) target(%dma_start3A_53 : memref<72xi32, #tpu.memory_space<vmem>>) target_semaphore(%run_scoped3A_46 : memref<!tpu.dma_semaphore, #tpu.memory_space<semaphore_mem>>)
      %dma_wait3A_55 = arith.constant 0 : i32
      %dma_wait3A_56 = tpu.memref_slice %arg5[%run_scoped3A_7, %dma_wait3A_55] : memref<2x72xi32, #tpu.memory_space<vmem>> -> memref<1x72xi32, #tpu.memory_space<vmem>>
      %dma_wait3A_57 = tpu.memref_squeeze %dma_wait3A_56 : memref<1x72xi32, #tpu.memory_space<vmem>> -> memref<72xi32, #tpu.memory_space<vmem>>
      %dma_wait3A_58 = tpu.memref_slice %arg3[%add3A_6] : memref<4608xi32, #tpu.memory_space<hbm>> -> memref<72xi32, #tpu.memory_space<hbm>>
      %dma_wait3A_59 = arith.constant 0 : i32
      %dma_wait3A_60 = tpu.memref_slice %arg5[%run_scoped3A_7, %dma_wait3A_59] : memref<2x72xi32, #tpu.memory_space<vmem>> -> memref<1x72xi32, #tpu.memory_space<vmem>>
      %dma_wait3A_61 = tpu.memref_squeeze %dma_wait3A_60 : memref<1x72xi32, #tpu.memory_space<vmem>> -> memref<72xi32, #tpu.memory_space<vmem>>
      %dma_wait3A_62 = tpu.memref_slice %arg3[%add3A_6] : memref<4608xi32, #tpu.memory_space<hbm>> -> memref<72xi32, #tpu.memory_space<hbm>>
      tpu.wait_dma2 semaphore(%run_scoped3A_46 : memref<!tpu.dma_semaphore, #tpu.memory_space<semaphore_mem>>) src(%dma_wait3A_62 : memref<72xi32, #tpu.memory_space<hbm>>) dst(%dma_wait3A_61 : memref<72xi32, #tpu.memory_space<vmem>>)
      tpu.yield
    }) : () -> ()
    %dma_start3A = arith.constant 0 : i32
    %dma_start3A_8 = arith.constant 0 : i32
    %dma_start3A_9 = arith.constant 0 : i32
    %dma_start3A_10 = tpu.memref_slice %arg6[%dma_start3A_8, %dma_start3A_9] : memref<144x256xf32, #tpu.memory_space<vmem>> -> memref<72x256xf32, #tpu.memory_space<vmem>>
    %dma_start3A_11 = arith.constant 0 : i32
    %dma_start3A_12 = tpu.memref_slice %arg5[%dma_start3A, %dma_start3A_11] : memref<2x72xi32, #tpu.memory_space<vmem>> -> memref<1x72xi32, #tpu.memory_space<vmem>>
    %dma_start3A_13 = tpu.memref_squeeze %dma_start3A_12 : memref<1x72xi32, #tpu.memory_space<vmem>> -> memref<72xi32, #tpu.memory_space<vmem>>
    %dma_start3A_14 = arith.constant 0 : i32
    %dma_start3A_15 = arith.constant 0 : i32
    %dma_start3A_16 = tpu.memref_slice %arg2[%dma_start3A_14, %dma_start3A_15] : memref<8192x256xf32, #tpu.memory_space<hbm>> -> memref<8192x256xf32, #tpu.memory_space<hbm>>
    tpu.enqueue_indirect_dma source(%dma_start3A_16 : memref<8192x256xf32, #tpu.memory_space<hbm>>) target(%dma_start3A_10 : memref<72x256xf32, #tpu.memory_space<vmem>>) offsets(%dma_start3A_13 : memref<72xi32, #tpu.memory_space<vmem>>) semaphore(%arg7 : memref<!tpu.dma_semaphore, #tpu.memory_space<semaphore_mem>>)
    %dma_start3A_17 = arith.constant 1 : i32
    %dma_start3A_18 = arith.constant 72 : i32
    %dma_start3A_19 = arith.constant 0 : i32
    %dma_start3A_20 = tpu.memref_slice %arg6[%dma_start3A_18, %dma_start3A_19] : memref<144x256xf32, #tpu.memory_space<vmem>> -> memref<72x256xf32, #tpu.memory_space<vmem>>
    %dma_start3A_21 = arith.constant 0 : i32
    %dma_start3A_22 = tpu.memref_slice %arg5[%dma_start3A_17, %dma_start3A_21] : memref<2x72xi32, #tpu.memory_space<vmem>> -> memref<1x72xi32, #tpu.memory_space<vmem>>
    %dma_start3A_23 = tpu.memref_squeeze %dma_start3A_22 : memref<1x72xi32, #tpu.memory_space<vmem>> -> memref<72xi32, #tpu.memory_space<vmem>>
    %dma_start3A_24 = arith.constant 0 : i32
    %dma_start3A_25 = arith.constant 0 : i32
    %dma_start3A_26 = tpu.memref_slice %arg2[%dma_start3A_24, %dma_start3A_25] : memref<8192x256xf32, #tpu.memory_space<hbm>> -> memref<8192x256xf32, #tpu.memory_space<hbm>>
    tpu.enqueue_indirect_dma source(%dma_start3A_26 : memref<8192x256xf32, #tpu.memory_space<hbm>>) target(%dma_start3A_20 : memref<72x256xf32, #tpu.memory_space<vmem>>) offsets(%dma_start3A_23 : memref<72xi32, #tpu.memory_space<vmem>>) semaphore(%arg7 : memref<!tpu.dma_semaphore, #tpu.memory_space<semaphore_mem>>)
    %dma_wait3A = arith.constant 0 : i32
    %dma_wait3A_27 = arith.constant 0 : i32
    %dma_wait3A_28 = arith.constant 0 : i32
    %dma_wait3A_29 = tpu.memref_slice %arg6[%dma_wait3A_27, %dma_wait3A_28] : memref<144x256xf32, #tpu.memory_space<vmem>> -> memref<72x256xf32, #tpu.memory_space<vmem>>
    %dma_wait3A_30 = arith.constant 0 : i32
    %dma_wait3A_31 = tpu.memref_slice %arg5[%dma_wait3A, %dma_wait3A_30] : memref<2x72xi32, #tpu.memory_space<vmem>> -> memref<1x72xi32, #tpu.memory_space<vmem>>
    %dma_wait3A_32 = tpu.memref_squeeze %dma_wait3A_31 : memref<1x72xi32, #tpu.memory_space<vmem>> -> memref<72xi32, #tpu.memory_space<vmem>>
    %dma_wait3A_33 = arith.constant 0 : i32
    %dma_wait3A_34 = arith.constant 0 : i32
    %dma_wait3A_35 = tpu.memref_slice %arg2[%dma_wait3A_33, %dma_wait3A_34] : memref<8192x256xf32, #tpu.memory_space<hbm>> -> memref<8192x256xf32, #tpu.memory_space<hbm>>
    tpu.wait_indirect_dma semaphore(%arg7 : memref<!tpu.dma_semaphore, #tpu.memory_space<semaphore_mem>>) src(%dma_wait3A_35 : memref<8192x256xf32, #tpu.memory_space<hbm>>) dst(%dma_wait3A_29 : memref<72x256xf32, #tpu.memory_space<vmem>>)
    %dma_wait3A_36 = arith.constant 1 : i32
    %dma_wait3A_37 = arith.constant 72 : i32
    %dma_wait3A_38 = arith.constant 0 : i32
    %dma_wait3A_39 = tpu.memref_slice %arg6[%dma_wait3A_37, %dma_wait3A_38] : memref<144x256xf32, #tpu.memory_space<vmem>> -> memref<72x256xf32, #tpu.memory_space<vmem>>
    %dma_wait3A_40 = arith.constant 0 : i32
    %dma_wait3A_41 = tpu.memref_slice %arg5[%dma_wait3A_36, %dma_wait3A_40] : memref<2x72xi32, #tpu.memory_space<vmem>> -> memref<1x72xi32, #tpu.memory_space<vmem>>
    %dma_wait3A_42 = tpu.memref_squeeze %dma_wait3A_41 : memref<1x72xi32, #tpu.memory_space<vmem>> -> memref<72xi32, #tpu.memory_space<vmem>>
    %dma_wait3A_43 = arith.constant 0 : i32
    %dma_wait3A_44 = arith.constant 0 : i32
    %dma_wait3A_45 = tpu.memref_slice %arg2[%dma_wait3A_43, %dma_wait3A_44] : memref<8192x256xf32, #tpu.memory_space<hbm>> -> memref<8192x256xf32, #tpu.memory_space<hbm>>
    tpu.wait_indirect_dma semaphore(%arg7 : memref<!tpu.dma_semaphore, #tpu.memory_space<semaphore_mem>>) src(%dma_wait3A_45 : memref<8192x256xf32, #tpu.memory_space<hbm>>) dst(%dma_wait3A_39 : memref<72x256xf32, #tpu.memory_space<vmem>>)
    "tpu.region"() ({
      %run_scoped3A_46 = tpu.sem_alloc : memref<!tpu.dma_semaphore, #tpu.memory_space<semaphore_mem>>
      %dma_start3A_47 = arith.constant 0 : i32
      %dma_start3A_48 = tpu.memref_slice %arg4[%mul3A_2, %dma_start3A_47] : memref<4608x256xf32, #tpu.memory_space<hbm>> -> memref<144x256xf32, #tpu.memory_space<hbm>>
      %dma_start3A_49 = arith.constant 0 : i32
      %dma_start3A_50 = tpu.memref_slice %arg4[%mul3A_2, %dma_start3A_49] : memref<4608x256xf32, #tpu.memory_space<hbm>> -> memref<144x256xf32, #tpu.memory_space<hbm>>
      tpu.enqueue_dma source(%arg6 : memref<144x256xf32, #tpu.memory_space<vmem>>) target(%dma_start3A_50 : memref<144x256xf32, #tpu.memory_space<hbm>>) target_semaphore(%run_scoped3A_46 : memref<!tpu.dma_semaphore, #tpu.memory_space<semaphore_mem>>)
      %dma_wait3A_51 = arith.constant 0 : i32
      %dma_wait3A_52 = tpu.memref_slice %arg4[%mul3A_2, %dma_wait3A_51] : memref<4608x256xf32, #tpu.memory_space<hbm>> -> memref<144x256xf32, #tpu.memory_space<hbm>>
      %dma_wait3A_53 = arith.constant 0 : i32
      %dma_wait3A_54 = tpu.memref_slice %arg4[%mul3A_2, %dma_wait3A_53] : memref<4608x256xf32, #tpu.memory_space<hbm>> -> memref<144x256xf32, #tpu.memory_space<hbm>>
      tpu.wait_dma2 semaphore(%run_scoped3A_46 : memref<!tpu.dma_semaphore, #tpu.memory_space<semaphore_mem>>) src(%arg6 : memref<144x256xf32, #tpu.memory_space<vmem>>) dst(%dma_wait3A_54 : memref<144x256xf32, #tpu.memory_space<hbm>>)
      tpu.yield
    }) : () -> ()
    return
  }
}

module attributes {stable_mosaic.version = 14 : i64} {
  func.func @_argmin_body(%arg0: i32, %arg1: i32, %arg2: memref<512x256xf32, #tpu.memory_space<vmem>>, %arg3: memref<8192x256xf32, #tpu.memory_space<vmem>>, %arg4: memref<512x1xf32, #tpu.memory_space<vmem>>, %arg5: memref<1x8192xf32, #tpu.memory_space<vmem>>, %arg6: memref<512x1xi32, #tpu.memory_space<vmem>>, %arg7: memref<512x1xf32, #tpu.memory_space<vmem>>) attributes {dimension_semantics = [#tpu.dimension_semantics<arbitrary>, #tpu.dimension_semantics<arbitrary>], iteration_bounds = array<i64: 9, 1>, scalar_prefetch = 0 : i64, scratch_operands = 0 : i64, tpu.core_type = #tpu.core_type<tc>, window_params = [{transform_indices = @transform_0, window_bounds = array<i64: 512, 256>}, {transform_indices = @transform_1, window_bounds = array<i64: 8192, 256>}, {transform_indices = @transform_2, window_bounds = array<i64: 512, 1>}, {transform_indices = @transform_3, window_bounds = array<i64: 1, 8192>}, {transform_indices = @transform_4, window_bounds = array<i64: 512, 1>}, {transform_indices = @transform_5, window_bounds = array<i64: 512, 1>}]} {
    %get3A = arith.constant 0 : index
    %get3A_0 = arith.constant 0 : index
    %get3A_1 = vector.load %arg2[%get3A, %get3A_0] : memref<512x256xf32, #tpu.memory_space<vmem>>, vector<512x256xf32>
    %get3A_2 = arith.constant 0 : index
    %get3A_3 = arith.constant 0 : index
    %get3A_4 = vector.load %arg3[%get3A_2, %get3A_3] : memref<8192x256xf32, #tpu.memory_space<vmem>>, vector<8192x256xf32>
    %dot_general3A = arith.constant dense<0.000000e+00> : vector<512x8192xf32>
    %dot_general3A_5 = tpu.matmul %get3A_1, %get3A_4, %dot_general3A {dimension_numbers = #tpu.dot_dimension_numbers<[1], [1], [0], [0], [0, 0, 1, 0], [], []>, transpose_lhs_hint = false} : vector<512x256xf32>, vector<8192x256xf32>, vector<512x8192xf32> -> vector<512x8192xf32>
    %get3A_6 = arith.constant 0 : index
    %get3A_7 = arith.constant 0 : index
    %get3A_8 = vector.load %arg4[%get3A_6, %get3A_7] : memref<512x1xf32, #tpu.memory_space<vmem>>, vector<512x1xf32>
    %get3A_9 = arith.constant 0 : index
    %get3A_10 = arith.constant 0 : index
    %get3A_11 = vector.load %arg5[%get3A_9, %get3A_10] : memref<1x8192xf32, #tpu.memory_space<vmem>>, vector<1x8192xf32>
    %add3A = vector.broadcast %get3A_8 : vector<512x1xf32> to vector<512x8192xf32>
    %add3A_12 = vector.broadcast %get3A_11 : vector<1x8192xf32> to vector<512x8192xf32>
    %add3A_13 = arith.addf %add3A, %add3A_12 : vector<512x8192xf32>
    %sub3A = arith.subf %add3A_13, %dot_general3A_5 : vector<512x8192xf32>
    %max3A = arith.constant 0.000000e+00 : f32
    %max3A_14 = vector.broadcast %max3A : f32 to vector<512x8192xf32>
    %max3A_15 = arith.maximumf %sub3A, %max3A_14 : vector<512x8192xf32>
    %sqrt3A = math.sqrt %max3A_15 : vector<512x8192xf32>
    %reduce_min3A = arith.constant dense<0x7F800000> : vector<512xf32>
    %reduce_min3A_16 = vector.multi_reduction <minimumf>, %sqrt3A, %reduce_min3A [1] : vector<512x8192xf32> to vector<512xf32>
    %broadcast_in_dim3A = vector.shape_cast %reduce_min3A_16 : vector<512xf32> to vector<512x1xf32>
    %iota3A = tpu.iota {dimensions = array<i32: 1>} : vector<512x8192xi32>
    %convert_element_type3A = arith.sitofp %iota3A : vector<512x8192xi32> to vector<512x8192xf32>
    %eq3A = vector.broadcast %broadcast_in_dim3A : vector<512x1xf32> to vector<512x8192xf32>
    %eq3A_17 = arith.cmpf oeq, %sqrt3A, %eq3A : vector<512x8192xf32>
    %jit3A = arith.constant 1.07374182E+9 : f32
    %broadcast_in_dim3A_18 = vector.broadcast %jit3A : f32 to vector<512x8192xf32>
    %select_n3A = arith.select %eq3A_17, %convert_element_type3A, %broadcast_in_dim3A_18 : vector<512x8192xi1>, vector<512x8192xf32>
    %reduce_min3A_19 = arith.constant dense<0x7F800000> : vector<512xf32>
    %reduce_min3A_20 = vector.multi_reduction <minimumf>, %select_n3A, %reduce_min3A_19 [1] : vector<512x8192xf32> to vector<512xf32>
    %broadcast_in_dim3A_21 = vector.shape_cast %reduce_min3A_20 : vector<512xf32> to vector<512x1xf32>
    %convert_element_type3A_22 = arith.fptosi %broadcast_in_dim3A_21 : vector<512x1xf32> to vector<512x1xi32>
    %mul3A = arith.constant 8192 : i32
    %mul3A_23 = arith.muli %arg1, %mul3A : i32
    %add3A_24 = vector.broadcast %mul3A_23 : i32 to vector<512x1xi32>
    %add3A_25 = arith.addi %convert_element_type3A_22, %add3A_24 : vector<512x1xi32>
    %eq3A_26 = arith.constant 0 : i32
    %eq3A_27 = arith.cmpi eq, %arg1, %eq3A_26 : i32
    %convert_element_type3A_28 = arith.extui %eq3A_27 : i1 to i32
    %cond3A = arith.constant 0 : i32
    %cond3A_29 = arith.cmpi ne, %convert_element_type3A_28, %cond3A : i32
    scf.if %cond3A_29 {
      %swap3A = arith.constant 0 : index
      %swap3A_34 = arith.constant 0 : index
      %swap3A_35 = vector.load %arg7[%swap3A, %swap3A_34] : memref<512x1xf32, #tpu.memory_space<vmem>>, vector<512x1xf32>
      tpu.vector_store %arg7[%swap3A, %swap3A_34], %broadcast_in_dim3A {strides = array<i32>} : memref<512x1xf32, #tpu.memory_space<vmem>>, vector<512x1xf32>,
      %swap3A_36 = arith.constant 0 : index
      %swap3A_37 = arith.constant 0 : index
      %swap3A_38 = vector.load %arg6[%swap3A_36, %swap3A_37] : memref<512x1xi32, #tpu.memory_space<vmem>>, vector<512x1xi32>
      tpu.vector_store %arg6[%swap3A_36, %swap3A_37], %add3A_25 {strides = array<i32>} : memref<512x1xi32, #tpu.memory_space<vmem>>, vector<512x1xi32>,
    } else {
    }
    %gt3A = arith.constant 0 : i32
    %gt3A_30 = arith.cmpi sgt, %arg1, %gt3A : i32
    %convert_element_type3A_31 = arith.extui %gt3A_30 : i1 to i32
    %cond3A_32 = arith.constant 0 : i32
    %cond3A_33 = arith.cmpi ne, %convert_element_type3A_31, %cond3A_32 : i32
    scf.if %cond3A_33 {
      %get3A_34 = arith.constant 0 : index
      %get3A_35 = arith.constant 0 : index
      %get3A_36 = vector.load %arg7[%get3A_34, %get3A_35] : memref<512x1xf32, #tpu.memory_space<vmem>>, vector<512x1xf32>
      %lt3A = arith.cmpf olt, %broadcast_in_dim3A, %get3A_36 : vector<512x1xf32>
      %select_n3A_37 = arith.select %lt3A, %broadcast_in_dim3A, %get3A_36 : vector<512x1xi1>, vector<512x1xf32>
      %swap3A = arith.constant 0 : index
      %swap3A_38 = arith.constant 0 : index
      %swap3A_39 = vector.load %arg7[%swap3A, %swap3A_38] : memref<512x1xf32, #tpu.memory_space<vmem>>, vector<512x1xf32>
      tpu.vector_store %arg7[%swap3A, %swap3A_38], %select_n3A_37 {strides = array<i32>} : memref<512x1xf32, #tpu.memory_space<vmem>>, vector<512x1xf32>,
      %get3A_40 = arith.constant 0 : index
      %get3A_41 = arith.constant 0 : index
      %get3A_42 = vector.load %arg6[%get3A_40, %get3A_41] : memref<512x1xi32, #tpu.memory_space<vmem>>, vector<512x1xi32>
      %select_n3A_43 = arith.select %lt3A, %add3A_25, %get3A_42 : vector<512x1xi1>, vector<512x1xi32>
      %swap3A_44 = arith.constant 0 : index
      %swap3A_45 = arith.constant 0 : index
      %swap3A_46 = vector.load %arg6[%swap3A_44, %swap3A_45] : memref<512x1xi32, #tpu.memory_space<vmem>>, vector<512x1xi32>
      tpu.vector_store %arg6[%swap3A_44, %swap3A_45], %select_n3A_43 {strides = array<i32>} : memref<512x1xi32, #tpu.memory_space<vmem>>, vector<512x1xi32>,
    } else {
    }
    return
  }
  func.func @transform_0(%arg0: i32, %arg1: i32) -> (i32, i32) {
    %c0_i32 = arith.constant 0 : i32
    %c0_i32_0 = arith.constant 0 : i32
    return %arg0, %c0_i32 : i32, i32
  }
  func.func @transform_1(%arg0: i32, %arg1: i32) -> (i32, i32) {
    %c0_i32 = arith.constant 0 : i32
    %c0_i32_0 = arith.constant 0 : i32
    return %arg1, %c0_i32 : i32, i32
  }
  func.func @transform_2(%arg0: i32, %arg1: i32) -> (i32, i32) {
    %c0_i32 = arith.constant 0 : i32
    %c0_i32_0 = arith.constant 0 : i32
    return %arg0, %c0_i32 : i32, i32
  }
  func.func @transform_3(%arg0: i32, %arg1: i32) -> (i32, i32) {
    %c0_i32 = arith.constant 0 : i32
    %c0_i32_0 = arith.constant 0 : i32
    return %c0_i32, %arg1 : i32, i32
  }
  func.func @transform_4(%arg0: i32, %arg1: i32) -> (i32, i32) {
    %c0_i32 = arith.constant 0 : i32
    %c0_i32_0 = arith.constant 0 : i32
    return %arg0, %c0_i32 : i32, i32
  }
  func.func @transform_5(%arg0: i32, %arg1: i32) -> (i32, i32) {
    %c0_i32 = arith.constant 0 : i32
    %c0_i32_0 = arith.constant 0 : i32
    return %arg0, %c0_i32 : i32, i32
  }
}

module attributes {stable_mosaic.version = 14 : i64} {
  func.func @_scalars_body(%arg0: memref<4608x256xf32, #tpu.memory_space<vmem>>, %arg1: memref<4608x256xf32, #tpu.memory_space<vmem>>, %arg2: memref<4608xf32, #tpu.memory_space<vmem>>, %arg3: memref<1x1xf32, #tpu.memory_space<smem>>, %arg4: memref<1x1xf32, #tpu.memory_space<smem>>) attributes {dimension_semantics = [], scalar_prefetch = 0 : i64, scratch_operands = 0 : i64, tpu.core_type = #tpu.core_type<tc>} {
    %get3A = arith.constant 0 : index
    %get3A_0 = arith.constant 0 : index
    %get3A_1 = vector.load %arg0[%get3A, %get3A_0] : memref<4608x256xf32, #tpu.memory_space<vmem>>, vector<4608x256xf32>
    %get3A_2 = arith.constant 0 : index
    %get3A_3 = arith.constant 0 : index
    %get3A_4 = vector.load %arg1[%get3A_2, %get3A_3] : memref<4608x256xf32, #tpu.memory_space<vmem>>, vector<4608x256xf32>
    %sub3A = arith.subf %get3A_1, %get3A_4 : vector<4608x256xf32>
    %mul3A = arith.mulf %sub3A, %sub3A : vector<4608x256xf32>
    %reduce_sum3A = vector.shape_cast %mul3A : vector<4608x256xf32> to vector<1x4608x256xf32>
    %reduce_sum3A_5 = arith.constant dense<0.000000e+00> : vector<1xf32>
    %reduce_sum3A_6 = vector.multi_reduction <add>, %reduce_sum3A, %reduce_sum3A_5 [1, 2] : vector<1x4608x256xf32> to vector<1xf32>
    %reduce_sum3A_7 = vector.shape_cast %reduce_sum3A_6 : vector<1xf32> to vector<1x1x1xf32>
    %reduce_sum3A_8 = vector.extract %reduce_sum3A_7[0, 0, 0] : f32 from vector<1x1x1xf32>
    %mul3A_9 = arith.constant 1.250000e+00 : f32
    %mul3A_10 = arith.mulf %mul3A_9, %reduce_sum3A_8 : f32
    %div3A = arith.constant 0x49900000 : f32
    %div3A_11 = arith.divf %mul3A_10, %div3A : f32
    %swap3A = arith.constant 0 : index
    %swap3A_12 = arith.constant 0 : index
    %swap3A_13 = memref.load %arg3[%swap3A, %swap3A_12] : memref<1x1xf32, #tpu.memory_space<smem>>
    memref.store %div3A_11, %arg3[%swap3A, %swap3A_12] : memref<1x1xf32, #tpu.memory_space<smem>>
    %get3A_14 = arith.constant 0 : index
    %get3A_15 = vector.load %arg2[%get3A_14] : memref<4608xf32, #tpu.memory_space<vmem>>, vector<4608xf32>
    %reduce_sum3A_16 = vector.shape_cast %get3A_15 : vector<4608xf32> to vector<1x4608xf32>
    %reduce_sum3A_17 = arith.constant dense<0.000000e+00> : vector<1xf32>
    %reduce_sum3A_18 = vector.multi_reduction <add>, %reduce_sum3A_16, %reduce_sum3A_17 [1] : vector<1x4608xf32> to vector<1xf32>
    %reduce_sum3A_19 = vector.shape_cast %reduce_sum3A_18 : vector<1xf32> to vector<1x1xf32>
    %reduce_sum3A_20 = vector.extract %reduce_sum3A_19[0, 0] : f32 from vector<1x1xf32>
    %div3A_21 = arith.constant 4.608000e+03 : f32
    %div3A_22 = arith.divf %reduce_sum3A_20, %div3A_21 : f32
    %swap3A_23 = arith.constant 0 : index
    %swap3A_24 = arith.constant 0 : index
    %swap3A_25 = memref.load %arg4[%swap3A_23, %swap3A_24] : memref<1x1xf32, #tpu.memory_space<smem>>
    memref.store %div3A_22, %arg4[%swap3A_23, %swap3A_24] : memref<1x1xf32, #tpu.memory_space<smem>>
    return
  }
}

</mosaic_0001>

<sc_bundles>
// kernel: kernel.5.cloned.1.call-start
scs
__scs_entry_jumppad:
0x0: {  	(pc) =	sbr.rel $0x88, $3  }
0x1: {  	(tag) =	ssettag $0x0;
	lr =	simm.s32 $0x1  }
0x2: {  	[smem:$0x3F9F] =	sst lr;
	_ =	strace $0xD0000000  }
0x3: {  	_ = 	snop  }
0x4: {  	_ = 	snop  }
0x5: {  	_ = 	snop  }
0x6: {  	_ = 	snop  }
0x7: {  	_ = 	snop  }
__scs_overlays_trampoline_lowered:
0x8: {  	[smem:$0x3FAE] =	sst s0  }
0x9: {  	[smem:$0x3FAF] =	sst s1  }
0xa: {  	[smem:$0x3FB0] =	sst s2  }
0xb: {  	[smem:$0x3FB1] =	sst s3  }
0xc: {  	[smem:$0x3FB2] =	sst s4  }
0xd: {  	[smem:$0x3FB3] =	sst s5  }
0xe: {  	[smem:$0x3FB4] =	sst s6  }
0xf: {  	[smem:$0x3FB5] =	sst s7  }
0x10: {  	[smem:$0x3FB6] =	sst s8  }
0x11: {  	[smem:$0x3FB7] =	sst s9;
	s0 =	simm.s32 @!p0 $0x0  }
0x12: {  	s1 =	sld [smem:$0x3F9D];
	s0 =	simm.s32 @p0 $0x1  }
0x13: {  	[smem:$0x3FB8] =	sst s0;
	s0 =	simm.s32 @!p1 $0x0  }
0x14: {  	s2 =	sld [smem:$0x3F9C];
	s0 =	simm.s32 @p1 $0x1  }
0x15: {  	[smem:$0x3FB9] =	sst s0;
	s0 =	simm.s32 @!p2 $0x0  }
0x16: {  	s3 =	sld [smem:$0x3FDB];
	s0 =	simm.s32 @p2 $0x1  }
0x17: {  	s4 =	simm.s32 $0x1BF5;
	[smem:$0x3FBB] =	sst s0  }
0x18: {  	s0 =	sld [smem:$0x3F9E];
	_ =	swait.ge [sflag:s4], $0x0  }
0x19: {  	s7 =	sld [smem:$0x3F9F]  }
0x1a: {  	s8 =	sadd.s32 $0xFFFFE003, lr  }
0x1b: {  	s9 =	sadd.s32 $0xFFFFFEF7, lr;
	s5 =	simm.s32 $0xFFFFFFFF;
	p2 =	slt.u32 s8, $0xFFFFF086  }
0x1c: {  	p1 =	slt.u32 s9, $0xF7A;
	s5 =	simm.s32 @!p2 $0x0  }
0x1d: {  	s5 =	simm.s32 @p1 $0x1;
	p0 =	seq.s32 s7, s2  }
0x1e: {  	s7 =	smul.u32 @!p0 $0xF7A, s2;
	p2 =	seq.s32 @!p0 s5, $0x0  }
0x1f: {  	s9 =	smul.u32 $0xF7A, s1;
	s8 =	simm.s32 @!p0 $0x1BF5;
	p2 =	por !p2, p0  }
0x20: {  	[sflag:s8] =	ssyncset.s32 @!p0 $0xFFFFF086;
	s6 =	sadd.s32 @!p0 s3, s7;
	s7 =	simm.s32 @!p0 $0x108  }
0x21: {  	s3 =	sadd.s32 s3, s9;
	s6 =	sadd.s32 @!p0 $0x88, s6;
	s7 =	simm.s32 @p2 $0x1082  }
0x22: {  	[simem:s7], [sflag:s8] =	dma.local @!p0 [hbm:s6], $0xF7A  }
0x23: {  	s9 =	sor.u32 $0xD0000000, s2;
	s6 =	simm.s32 $0x108;
	_ =	swait.ge @!p0 [sflag:s8], $0x0  }
0x24: {  	s3 =	sadd.s32 $0x88, s3;
	s6 =	simm.s32 @!p1 $0x1082;
	[sflag:s4] =	ssyncset.s32 $0xFFFFF086  }
0x25: {  	[simem:s6], [sflag:s4] =	dma.local [hbm:s3], $0xF7A  }
0x26: {  	[smem:$0x3F9F] =	sst s1;
	(tag) =	ssettag s2;
	_ =	strace s9  }
0x27: {  	s1 =	sld [smem:$0x3FAF]  }
0x28: {  	s2 =	sld [smem:$0x3FB0]  }
0x29: {  	s4 =	sld [smem:$0x3FB2]  }
0x2a: {  	p0 =	seq.s32 s5, $0x0;
	s5 =	sld [smem:$0x3FB3]  }
0x2b: {  	s6 =	sld [smem:$0x3FB4]  }
0x2c: {  	s7 =	sld [smem:$0x3FB5]  }
0x2d: {  	s3 =	simm.s32 $0x108;
	s8 =	sld [smem:$0x3FB6]  }
0x2e: {  	s3 =	simm.s32 @!p0 $0x1082;
	s9 =	sld [smem:$0x3FB7]  }
0x2f: {  	lr =	sadd.s32 s0, s3;
	s0 =	sld [smem:$0x3FAE]  }
0x30: {  	s3 =	sld [smem:$0x3FB1]  }
0x31: {  	[smem:$0x3FBA] =	sst s10  }
0x32: {  	s10 =	sld [smem:$0x3FB8];
	_ =	sdelay $0x3  }
0x33: {  	p0 =	seq.s32 s10, $0x1;
	s10 =	sld [smem:$0x3FBA];
	_ =	sdelay $0x3  }
0x34: {  	[smem:$0x3FBA] =	sst s10  }
0x35: {  	s10 =	sld [smem:$0x3FB9];
	_ =	sdelay $0x3  }
0x36: {  	p1 =	seq.s32 s10, $0x1;
	s10 =	sld [smem:$0x3FBA];
	_ =	sdelay $0x3  }
0x37: {  	[smem:$0x3FBA] =	sst s10  }
0x38: {  	s10 =	sld [smem:$0x3FBB]  }
0x39: {  	_ = 	snop;
	(pc) =	sbr.ind lr, $3  }
0x3a: {  	_ = 	snop  }
0x3b: {  	_ = 	snop  }
0x3c: {  	p2 =	seq.s32 s10, $0x1;
	s10 =	sld [smem:$0x3FBA]  }
0x3d: {  	_ =	shalt  }
0x3e: {  	_ =	shalt  }
0x3f: {  	_ =	shalt  }
0x40: {  	_ =	shalt  }
0x41: {  	_ =	shalt  }
0x42: {  	_ =	shalt  }
0x43: {  	_ =	shalt  }
0x44: {  	_ =	shalt  }
0x45: {  	_ =	shalt  }
0x46: {  	_ =	shalt  }
0x47: {  	_ =	shalt  }
0x48: {  	_ =	shalt  }
0x49: {  	_ =	shalt  }
0x4a: {  	_ =	shalt  }
0x4b: {  	_ =	shalt  }
0x4c: {  	_ =	shalt  }
0x4d: {  	_ =	shalt  }
0x4e: {  	_ =	shalt  }
0x4f: {  	_ =	shalt  }
0x50: {  	_ =	shalt  }
0x51: {  	_ =	shalt  }
0x52: {  	_ =	shalt  }
0x53: {  	_ =	shalt  }
0x54: {  	_ =	shalt  }
0x55: {  	_ =	shalt  }
0x56: {  	_ =	shalt  }
0x57: {  	_ =	shalt  }
0x58: {  	_ =	shalt  }
0x59: {  	_ =	shalt  }
0x5a: {  	_ =	shalt  }
0x5b: {  	_ =	shalt  }
0x5c: {  	_ =	shalt  }
0x5d: {  	_ =	shalt  }
0x5e: {  	_ =	shalt  }
0x5f: {  	_ =	shalt  }
0x60: {  	_ =	shalt  }
0x61: {  	_ =	shalt  }
0x62: {  	_ =	shalt  }
0x63: {  	_ =	shalt  }
0x64: {  	_ =	shalt  }
0x65: {  	_ =	shalt  }
0x66: {  	_ =	shalt  }
0x67: {  	_ =	shalt  }
0x68: {  	_ =	shalt  }
0x69: {  	_ =	shalt  }
0x6a: {  	_ =	shalt  }
0x6b: {  	_ =	shalt  }
0x6c: {  	_ =	shalt  }
0x6d: {  	_ =	shalt  }
0x6e: {  	_ =	shalt  }
0x6f: {  	_ =	shalt  }
0x70: {  	_ =	shalt  }
0x71: {  	_ =	shalt  }
0x72: {  	_ =	shalt  }
0x73: {  	_ =	shalt  }
0x74: {  	_ =	shalt  }
0x75: {  	_ =	shalt  }
0x76: {  	_ =	shalt  }
0x77: {  	_ =	shalt  }
0x78: {  	_ =	shalt  }
0x79: {  	_ =	shalt  }
0x7a: {  	_ =	shalt  }
0x7b: {  	_ =	shalt  }
0x7c: {  	_ =	shalt  }
0x7d: {  	_ =	shalt  }
0x7e: {  	_ =	shalt  }
0x7f: {  	_ =	shalt  }
0x80: {  	_ =	shalt  }
0x81: {  	_ =	shalt  }
0x82: {  	_ =	shalt  }
0x83: {  	_ =	shalt  }
0x84: {  	_ =	shalt  }
0x85: {  	_ =	shalt  }
0x86: {  	_ =	shalt  }
0x87: {  	_ =	shalt  }
.Lfunc_end0:
.L_simem_size_0:
called_computation_lowered:
.L_overlay_start_0:
0x88: {  	s2 =	sld [smem:$0x3FD9]  }
0x89: {  	s3 =	sld [smem:$0x3FFE];
	_ =	sdelay $0x1  }
0x8a: {  	s1 =	srdreg.scid  }
0x8b: {  	s0 =	sand.u32 $0x1, s1  }
0x8c: {  	s14 =	sshll.u32 s0, $0xA;
	s2 =	sadd.s32 s3, s2  }
0x8d: {  	s2 =	sadd.s32 s2, s14  }
0x8e: {  	[smem:$0x3FC6] =	sst s2  }
0x8f: {  	_ = 	snop  }
0x90: {  	s2 =	sld [smem:$0x3FD0];
	_ =	sdelay $0x2  }
0x91: {  	s4 =	simm.s32 $0xA;
	s5 =	simm.s32 $0x10;
	s15 =	sld [smem:$0x3FC8]  }
0x92: {  	[smem:s5], [sflag:s4] =	dma.local [hbm:s2], $0x1  }
0x93: {  	_ =	swait.eq [sflag:s4], $0x1  }
0x94: {  	[sflag:s4] =	ssyncset.done $0x0  }
0x95: {  	[sflag:s4] =	ssyncadd.s32 $0xFFFFFFFF  }
0x96: {  	s16 =	sld [smem:$0x10];
	(tm) =	ssettm $0x1  }
0x97: {  	s17 =	sld [smem:$0x3FFB];
	_ =	sdelay $0x3  }
0x98: {  	_ =	strace s17  }
0x99: {  	s4 =	sld [smem:$0x3FFC];
	_ =	sdelay $0x3  }
0x9a: {  	_ =	strace s4  }
0x9b: {  	s4 =	sld [smem:$0x3FFD];
	_ =	sdelay $0x3  }
0x9c: {  	_ =	strace s4  }
0x9d: {  	_ =	strace $0x8FFFFFFF  }
0x9e: {  	s18 =	sld [smem:$0x3FDB];
	_ =	sdelay $0x1  }
0x9f: {  	s19 =	simm.s32 $_scs_section_size  }
0xa0: {  	s6 =	simm.s32 $_size__tile_overlayer_lowered;
	s7 =	simm.s32 $_tile_overlayer_lowered  }
0xa1: {  	s22 =	simm.s32 $0x1BFF;
	s21 =	sshll.u32 s7, $0x1;
	s4 =	sadd.s32 s19, s18  }
0xa2: {  	s8 =	simm.s32 $0x0;
	s20 =	sshll.u32 s6, $0x1;
	s6 =	sadd.s32 s21, s4  }
0xa3: {  	[timem:s8], [sflag:s22] =	dma.local [hbm:s6], s20  }
0xa4: {  	_ =	swait.ge [sflag:s22], s20  }
0xa5: {  	s5 =	ssub.s32 $0x0, s20;
	[sflag:s22] =	ssyncset.done $0x0  }
0xa6: {  	[sflag:s22] =	ssyncadd.s32 s5;
	_ =	sdelay $0x1  }
0xa7: {  	s23 =	simm.s32 $0x1B8B  }
0xa8: {  	_ =	swait.ge [sflag:s23], $0x1  }
0xa9: {  	[sflag:s23] =	ssyncset.done $0x0  }
0xaa: {  	s25 =	simm.s32 $0x1B8E;
	s24 =	sld [smem:$0x3FFE];
	[sflag:s23] =	ssyncadd.s32 $0xFFFFFFFF  }
0xab: {  	s26 =	simm.s32 $execute0_lowered;
	[smem:$0x3FD2] =	sst s25  }
0xac: {  	s6 =	sshll.u32 s26, $0x1;
	_ =	strace $0x80000046;
	[dreg:$0x1] =	wrdreg $0xFFFFFFFF  }
0xad: {  	s28 =	simm.s32 $_size_execute0_lowered;
	s4 =	sadd.s32 s4, s6;
	[dreg:$0x0] =	wrdreg $0x0  }
0xae: {  	s6 =	sshll.u32 s28, $0x1;
	[dreg:$0x2] =	wrdreg s4  }
0xaf: {  	[dreg:$0x3] =	wrdreg s6  }
0xb0: {  	[dreg:$0x4] =	wrdreg $0xC0  }
0xb1: {  	_ =	task [dreg:s8], $0x5FFFF  }
0xb2: {  	[dreg:$0x1] =	wrdreg $0xFFFFFFFF  }
0xb3: {  	[dreg:$0x0] =	wrdreg $0x60  }
0xb4: {  	[dreg:$0x2] =	wrdreg s15  }
0xb5: {  	[dreg:$0x3] =	wrdreg s16  }
0xb6: {  	[dreg:$0x4] =	wrdreg s24  }
0xb7: {  	[dreg:$0x5] =	wrdreg $0x9  }
0xb8: {  	_ =	task.clear_ibuf [dreg:s8], $0x6FFFF;
	_ =	strace $0x90000046  }
0xb9: {  	s29 =	simm.s32 $0x9;
	_ =	strace $0x80000048  }
0xba: {  	_ =	swait.ge [sflag:s29], $0x1  }
0xbb: {  	[sflag:s29] =	ssyncadd.s32 $0xFFFFFFFF  }
0xbc: {  	_ =	strace $0x90000048  }
0xbd: {  	_ =	sfence  }
0xbe: {  	s30 =	sld [smem:$0x0];
	_ =	sdelay $0x2  }
0xbf: {  	s31 =	sshll.u32 s1, $0xD;
	s1 =	sshrl.u32 s1, $0x2  }
0xc0: {  	s3 =	sand.u32 $0x4000, s31;
	s1 =	sadd.s32 s1, s30  }
0xc1: {  	s0 =	sor.u32 s3, s0;
	s1 =	sshll.u32 s1, $0x11  }
0xc2: {  	s0 =	sor.u32 s1, s0  }
0xc3: {  	s0 =	sadd.s32 $0x8F2B, s0  }
0xc4: {  	[sflag:s0] =	ssyncadd.remote.s32 $0x1  }
0xc5: {  	_ =	sfence.sel $0xFFFF  }
0xc6: {  	[dreg:$0x0] =	wrdreg $0xFFFFFFFF;
	(pc) =	sbr.abs _section_cstart, $3  }
0xc7: {  	[dreg:$0x1] =	wrdreg $0xFFFFFFFF  }
0xc8: {  	_ =	task.clear_ibuf [dreg:s8], $0x2FFFF;
	_ =	strace $0x9FFFFFFF  }
0xc9: {  	(tm) =	ssettm $0x7FFFFFFF  }
tec
execute0_lowered:
.L_overlay_start_1:
0x0: {  	(tag) =	ssettag $0x1  }
0x1: {  	s1 =	rddreg [dreg:$0x0];
	s2 =	srdreg.scid  }
0x2: {  	s0 =	stileid.u32;
	s5 =	rddreg [dreg:$0x1]  }
0x3: {  	s6 =	rddreg [dreg:$0x2];
	s3 =	simm.s32 $0x0;
	s10 =	simm.s32 $0x100  }
0x4: {  	s11 =	simm.s32 $0x900;
	s12 =	simm.s32 $0x1100;
	s13 =	simm.s32 $0x1900  }
0x5: {  	s14 =	simm.s32 $0x2100;
	s15 =	simm.s32 $0x2900;
	s16 =	simm.s32 $0x3100  }
0x6: {  	s17 =	simm.s32 $0x3900;
	s18 =	simm.s32 $0x4100;
	s19 =	simm.s32 $0x4900  }
0x7: {  	s20 =	simm.s32 $0x5100;
	s21 =	simm.s32 $0x5900;
	s22 =	simm.s32 $0x6100  }
0x8: {  	s23 =	simm.s32 $0x6900;
	s4 =	sand.u32 $0x1, s2;
	s30 =	sshll.u32 s0, $0x1  }
0x9: {  	s24 =	simm.s32 $0x7100;
	s25 =	simm.s32 $0x7900;
	s7 =	sor.u32 s4, s30  }
0xa: {  	s26 =	simm.s32 $0x8100;
	s28 =	simm.s32 $0x8900;
	s8 =	smul.u32 $0x1200, s7  }
0xb: {  	s29 =	simm.s32 $0x1;
	[smem:$0x7FF] =	sst s3;
	s7 =	smul.u32 $0x90, s7  }
0xc: {  	s2 =	rddreg [dreg:$0x3];
	_ =	strace $0x80000047;
	s4 =	ssub.s32 $0x2, s4  }
0xd: {  	s31 =	sshrl.u32 s4, $0x1;
	s6 =	sadd.s32 s8, s6;
	s9 =	sshrl.u32 s7, $0x3  }
0xe: {  	v2 =	vlaneseq.u32;
	s7 =	sadd.s32 $0x48, s7;
	s8 =	ssub.s32 s4, s31;
	s4 =	sadd.s32 s5, s9  }
0xf: {  	vm0 =	vmmov $0xffff;
	v1 =	vshrl.u32 v2, $0x3;
	s7 =	sshrl.u32 s7, $0x3;
	s6 =	sadd.s32 $0x600, s6;
	s9 =	simm.s32 $0x80  }
0x10: {  	v0 =	vand.u32 $0x7, v2;
	v2 =	vor.u32 $0x8, v2;
	v1 =	vmul.u32 $0x8, v1;
	s5 =	sadd.s32 s5, s7;
	s7 =	smax.u32 s8, $0x1;
	s8 =	simm.s32 $0x2  }
.LBB2_1:
0x11: {  	[tilespmem:s3], [sflag:$0x2] =	stream.linear.gather [hbm4b:s4+s3], $0x48, $0x38;
	[tilespmem:$0x9100] =	vst v63  }
0x12: {  	_ =	swait.ge [sflag:s8], $0x48  }
0x13: {  	[sflag:s8] =	ssyncset.done $0x0  }
0x14: {  	[sflag:s8] =	ssyncadd.s32 $0xFFFFFFB8  }
0x15: {  	[tilespmem:s9], [sflag:$0x2] =	stream.linear.gather [hbm4b:s5+s3], $0x48, $0x38;
	[tilespmem:$0x9100] =	vst v63  }
0x16: {  	_ =	swait.ge [sflag:s8], $0x48  }
0x17: {  	[sflag:s8] =	ssyncset.done $0x0  }
0x18: {  	[sflag:s8] =	ssyncadd.s32 $0xFFFFFFB8  }
0x19: {  	v3 =	vld [tilespmem:$0x0];
	_ =	sdelay $0x4  }
0x1a: {  	v4 =	vshll.u32 v3, $0x1  }
0x1b: {  	v3 =	vand.u32 $0x7, v3;
	v4 =	vand.u32 $0xFFFFFFF0, v4  }
0x1c: {  	v3 =	vor.u32 v3, v4  }
0x1d: {  	v4 =	vperm.xlane v3, v0;
	_ =	sdelay $0x1  }
0x1e: {  	v3 =	vperm.xlane v3, v2;
	v4 =	vadd.s32 v1, v4;
	_ =	sdelay $0x1  }
0x1f: {  	v3 =	vadd.s32 v1, v3;
	_ =	sdelay $0x2  }
0x20: {  	[tilespmem:s10], [sflag:$0x1] =	stream.indirect_vreg.gather [hbm4b:s1+s3], $0x80, v4, vm0, $0xb8;
	[tilespmem:$0x9100] =	vst v63  }
0x21: {  	_ = 	snop  }
0x22: {  	[tilespmem:s11], [sflag:$0x1] =	stream.indirect_vreg.gather [hbm4b:s1+s3], $0x80, v3, vm0, $0xb8;
	[tilespmem:$0x9100] =	vst v63  }
0x23: {  	v3 =	vld [tilespmem:$0x10];
	_ =	sdelay $0x4  }
0x24: {  	v55 =	vshll.u32 v3, $0x1  }
0x25: {  	v3 =	vand.u32 $0x7, v3;
	v4 =	vand.u32 $0xFFFFFFF0, v55  }
0x26: {  	v3 =	vor.u32 v3, v4  }
0x27: {  	v4 =	vperm.xlane v3, v0;
	_ =	sdelay $0x1  }
0x28: {  	v3 =	vperm.xlane v3, v2;
	v4 =	vadd.s32 v1, v4;
	_ =	sdelay $0x1  }
0x29: {  	v3 =	vadd.s32 v1, v3;
	_ =	sdelay $0x2  }
0x2a: {  	[tilespmem:s12], [sflag:$0x1] =	stream.indirect_vreg.gather [hbm4b:s1+s3], $0x80, v4, vm0, $0xb8;
	[tilespmem:$0x9100] =	vst v63  }
0x2b: {  	_ = 	snop  }
0x2c: {  	[tilespmem:s13], [sflag:$0x1] =	stream.indirect_vreg.gather [hbm4b:s1+s3], $0x80, v3, vm0, $0xb8;
	[tilespmem:$0x9100] =	vst v63  }
0x2d: {  	v3 =	vld [tilespmem:$0x20];
	_ =	sdelay $0x4  }
0x2e: {  	v56 =	vshll.u32 v3, $0x1  }
0x2f: {  	v3 =	vand.u32 $0x7, v3;
	v4 =	vand.u32 $0xFFFFFFF0, v56  }
0x30: {  	v3 =	vor.u32 v3, v4  }
0x31: {  	v4 =	vperm.xlane v3, v0;
	_ =	sdelay $0x1  }
0x32: {  	v3 =	vperm.xlane v3, v2;
	v4 =	vadd.s32 v1, v4;
	_ =	sdelay $0x1  }
0x33: {  	v3 =	vadd.s32 v1, v3;
	_ =	sdelay $0x2  }
0x34: {  	[tilespmem:s14], [sflag:$0x1] =	stream.indirect_vreg.gather [hbm4b:s1+s3], $0x80, v4, vm0, $0xb8;
	[tilespmem:$0x9100] =	vst v63  }
0x35: {  	_ = 	snop  }
0x36: {  	[tilespmem:s15], [sflag:$0x1] =	stream.indirect_vreg.gather [hbm4b:s1+s3], $0x80, v3, vm0, $0xb8;
	[tilespmem:$0x9100] =	vst v63  }
0x37: {  	v3 =	vld [tilespmem:$0x30];
	_ =	sdelay $0x4  }
0x38: {  	v57 =	vshll.u32 v3, $0x1  }
0x39: {  	v3 =	vand.u32 $0x7, v3;
	v4 =	vand.u32 $0xFFFFFFF0, v57  }
0x3a: {  	v3 =	vor.u32 v3, v4  }
0x3b: {  	v4 =	vperm.xlane v3, v0;
	_ =	sdelay $0x1  }
0x3c: {  	v3 =	vperm.xlane v3, v2;
	v4 =	vadd.s32 v1, v4;
	_ =	sdelay $0x1  }
0x3d: {  	v3 =	vadd.s32 v1, v3;
	_ =	sdelay $0x2  }
0x3e: {  	[tilespmem:s16], [sflag:$0x1] =	stream.indirect_vreg.gather [hbm4b:s1+s3], $0x80, v4, vm0, $0xb8;
	[tilespmem:$0x9100] =	vst v63  }
0x3f: {  	_ = 	snop  }
0x40: {  	[tilespmem:s17], [sflag:$0x1] =	stream.indirect_vreg.gather [hbm4b:s1+s3], $0x80, v3, vm0, $0xb8;
	[tilespmem:$0x9100] =	vst v63  }
0x41: {  	v3 =	vld.msk [tilespmem:$0x40], $0xff;
	_ =	sdelay $0x4  }
0x42: {  	v58 =	vshll.u32 v3, $0x1  }
0x43: {  	v3 =	vand.u32 $0x7, v3;
	v4 =	vand.u32 $0xFFFFFFF0, v58  }
0x44: {  	v3 =	vor.u32 v3, v4  }
0x45: {  	v3 =	vperm.xlane v3, v0;
	_ =	sdelay $0x1  }
0x46: {  	v3 =	vadd.s32 v1, v3;
	_ =	sdelay $0x4  }
0x47: {  	[tilespmem:s18], [sflag:$0x1] =	stream.indirect_vreg.gather [hbm4b:s1+s3], $0x80, v3, vm0, $0xb8;
	[tilespmem:$0x9100] =	vst v63  }
0x48: {  	v3 =	vld [tilespmem:$0x80];
	_ =	sdelay $0x4  }
0x49: {  	v59 =	vshll.u32 v3, $0x1  }
0x4a: {  	v3 =	vand.u32 $0x7, v3;
	v4 =	vand.u32 $0xFFFFFFF0, v59  }
0x4b: {  	v3 =	vor.u32 v3, v4  }
0x4c: {  	v4 =	vperm.xlane v3, v0;
	_ =	sdelay $0x1  }
0x4d: {  	v3 =	vperm.xlane v3, v2;
	v4 =	vadd.s32 v1, v4;
	_ =	sdelay $0x1  }
0x4e: {  	v3 =	vadd.s32 v1, v3;
	_ =	sdelay $0x2  }
0x4f: {  	[tilespmem:s19], [sflag:$0x1] =	stream.indirect_vreg.gather [hbm4b:s1+s3], $0x80, v4, vm0, $0xb8;
	[tilespmem:$0x9100] =	vst v63  }
0x50: {  	_ = 	snop  }
0x51: {  	[tilespmem:s20], [sflag:$0x1] =	stream.indirect_vreg.gather [hbm4b:s1+s3], $0x80, v3, vm0, $0xb8;
	[tilespmem:$0x9100] =	vst v63  }
0x52: {  	v3 =	vld [tilespmem:$0x90];
	_ =	sdelay $0x4  }
0x53: {  	v60 =	vshll.u32 v3, $0x1  }
0x54: {  	v3 =	vand.u32 $0x7, v3;
	v4 =	vand.u32 $0xFFFFFFF0, v60  }
0x55: {  	v3 =	vor.u32 v3, v4  }
0x56: {  	v4 =	vperm.xlane v3, v0;
	_ =	sdelay $0x1  }
0x57: {  	v3 =	vperm.xlane v3, v2;
	v4 =	vadd.s32 v1, v4;
	_ =	sdelay $0x1  }
0x58: {  	v3 =	vadd.s32 v1, v3;
	_ =	sdelay $0x2  }
0x59: {  	[tilespmem:s21], [sflag:$0x1] =	stream.indirect_vreg.gather [hbm4b:s1+s3], $0x80, v4, vm0, $0xb8;
	[tilespmem:$0x9100] =	vst v63  }
0x5a: {  	_ = 	snop  }
0x5b: {  	[tilespmem:s22], [sflag:$0x1] =	stream.indirect_vreg.gather [hbm4b:s1+s3], $0x80, v3, vm0, $0xb8;
	[tilespmem:$0x9100] =	vst v63  }
0x5c: {  	v3 =	vld [tilespmem:$0xA0];
	_ =	sdelay $0x4  }
0x5d: {  	v61 =	vshll.u32 v3, $0x1  }
0x5e: {  	v3 =	vand.u32 $0x7, v3;
	v4 =	vand.u32 $0xFFFFFFF0, v61  }
0x5f: {  	v3 =	vor.u32 v3, v4  }
0x60: {  	v4 =	vperm.xlane v3, v0;
	_ =	sdelay $0x1  }
0x61: {  	v3 =	vperm.xlane v3, v2;
	v4 =	vadd.s32 v1, v4;
	_ =	sdelay $0x1  }
0x62: {  	v3 =	vadd.s32 v1, v3;
	_ =	sdelay $0x2  }
0x63: {  	[tilespmem:s23], [sflag:$0x1] =	stream.indirect_vreg.gather [hbm4b:s1+s3], $0x80, v4, vm0, $0xb8;
	[tilespmem:$0x9100] =	vst v63  }
0x64: {  	_ = 	snop  }
0x65: {  	[tilespmem:s24], [sflag:$0x1] =	stream.indirect_vreg.gather [hbm4b:s1+s3], $0x80, v3, vm0, $0xb8;
	[tilespmem:$0x9100] =	vst v63  }
0x66: {  	v3 =	vld [tilespmem:$0xB0];
	_ =	sdelay $0x4  }
0x67: {  	v62 =	vshll.u32 v3, $0x1  }
0x68: {  	v3 =	vand.u32 $0x7, v3;
	v4 =	vand.u32 $0xFFFFFFF0, v62  }
0x69: {  	v3 =	vor.u32 v3, v4  }
0x6a: {  	v4 =	vperm.xlane v3, v0;
	_ =	sdelay $0x1  }
0x6b: {  	v3 =	vperm.xlane v3, v2;
	v4 =	vadd.s32 v1, v4;
	_ =	sdelay $0x1  }
0x6c: {  	v3 =	vadd.s32 v1, v3;
	_ =	sdelay $0x2  }
0x6d: {  	[tilespmem:s25], [sflag:$0x1] =	stream.indirect_vreg.gather [hbm4b:s1+s3], $0x80, v4, vm0, $0xb8;
	[tilespmem:$0x9100] =	vst v63  }
0x6e: {  	_ = 	snop  }
0x6f: {  	[tilespmem:s26], [sflag:$0x1] =	stream.indirect_vreg.gather [hbm4b:s1+s3], $0x80, v3, vm0, $0xb8;
	[tilespmem:$0x9100] =	vst v63  }
0x70: {  	v3 =	vld.msk [tilespmem:$0xC0], $0xff;
	_ =	sdelay $0x4  }
0x71: {  	v63 =	vshll.u32 v3, $0x1  }
0x72: {  	v3 =	vand.u32 $0x7, v3;
	v4 =	vand.u32 $0xFFFFFFF0, v63  }
0x73: {  	v3 =	vor.u32 v3, v4  }
0x74: {  	v3 =	vperm.xlane v3, v0;
	_ =	sdelay $0x1  }
0x75: {  	v3 =	vadd.s32 v1, v3;
	_ =	sdelay $0x4  }
0x76: {  	[tilespmem:s28], [sflag:$0x1] =	stream.indirect_vreg.gather [hbm4b:s1+s3], $0x80, v3, vm0, $0xb8;
	[tilespmem:$0x9100] =	vst v63  }
0x77: {  	_ =	swait.ge [sflag:s29], $0x4800  }
0x78: {  	[sflag:s29] =	ssyncset.done $0x0  }
0x79: {  	[sflag:s29] =	ssyncadd.s32 $0xFFFFB800  }
0x7a: {  	_ =	swait.ge [sflag:s29], $0x4800  }
0x7b: {  	p0 =	sne.s32 s7, $0x1;
	[sflag:s29] =	ssyncset.done $0x0  }
.Ltmp0:
0x7c: {  	[sflag:s29] =	ssyncadd.s32 $0xFFFFB800;
	(pc) =	sbr.rel @p0 .LBB2_1-.Ltmp0, $4  }
0x7d: {  	[hbm4b:s6+s3] =	stream.linear.scatter [tilespmem:s10], [sflag:$0x2], $0x9000, $0x38;
	[tilespmem:$0x9100] =	vst v63  }
0x7e: {  	_ =	swait.ge [sflag:s8], $0x9000  }
0x7f: {  	[sflag:s8] =	ssyncset.done $0x0  }
0x80: {  	s7 =	sadd.s32 $0xFFFFFFFF, s7;
	[sflag:s8] =	ssyncadd.s32 $0xFFFF7000  }
0x81: {  	_ =	sfence.sel $0x180000  }
0x82: {  	[bflag:$0x0] =	sbarrier.arrive $0xFFFF  }
0x83: {  	p0 =	sne.s32 s0, $0x0;
	_ =	strace $0x90000047  }
0x84: {  	s0 =	sadd.s32 @!p0 $0x100000, s2;
	[bflag:$0x2] =	sbarrier.arrive $0xFFFF  }
0x85: {  	[sflag:s0] =	ssyncadd.tile.s32 @!p0 $0x1;
	_ =	shalt  }
.Lfunc_end2:
_tile_overlayer_lowered:
.L_overlay_start_2:
0x86: {  	(tag) =	ssettag $0x2  }
0x87: {  	s0 =	rddreg [dreg:$0x0];
	s2 =	stileid.u32  }
0x88: {  	s1 =	rddreg [dreg:$0x1];
	p0 =	sne.s32 s2, $0x0  }
0x89: {  	s3 =	rddreg [dreg:$0x2];
	[bflag:$0x3] =	sbarrier.arrive $0xFFFF;
	s2 =	simm.s32 @!p0 $0x1C02  }
0x8a: {  	[timem:s3], [sflag:s2] =	dma.local @!p0 [hbm:s0], s1  }
0x8b: {  	s0 =	simm.s32 @!p0 $0x2  }
0x8c: {  	_ =	swait.ge @!p0 [sflag:s0], s1  }
0x8d: {  	s1 =	ssub.s32 @!p0 $0x0, s1;
	[sflag:s0] =	ssyncset.done @!p0 $0x0  }
0x8e: {  	[sflag:s0] =	ssyncadd.s32 @!p0 s1  }
0x8f: {  	[bflag:$0x3] =	sbarrier.arrive $0xFFFF  }
0x90: {  	_ =	shalt  }

</sc_bundles>
